<compile_context>
chip_gen: v7x
topology: tpu7x:2x2x1
jax: 0.10.2.dev20260603
libtpu: 0.0.44.dev20260713+nightly
codegen_flags: <defaults>
</compile_context>

<pallas_src>
import jax
import jax.numpy as jnp
from jax.experimental import pallas as pl
from jax.experimental.pallas import tpu as pltpu
from jax.experimental.pallas import tpu_sc as plsc

DIMS = 512

_mesh = plsc.ScalarSubcoreMesh(axis_name="c", num_cores=1)


def _pe_lookup(xy_hbm, pe_x_hbm, pe_y_hbm, out_hbm, idx_s, sem_a, sem_b):
    pltpu.sync_copy(xy_hbm, idx_s)
    x = idx_s[0, 0]
    y = idx_s[1, 0]
    cp_x = pltpu.async_copy(
        pe_x_hbm.at[pl.ds(x, 1)], out_hbm.at[pl.ds(0, 1)], sem_a
    )
    cp_y = pltpu.async_copy(
        pe_y_hbm.at[pl.ds(y, 1)], out_hbm.at[pl.ds(1, 1)], sem_b
    )
    cp_x.wait()
    cp_y.wait()


_sc_call = pl.kernel(
    _pe_lookup,
    out_type=jax.ShapeDtypeStruct((2, DIMS), jnp.float32),
    mesh=_mesh,
    scratch_types=[
        pltpu.SMEM((2, 1), jnp.int32),
        pltpu.SemaphoreType.DMA,
        pltpu.SemaphoreType.DMA,
    ],
)


@jax.jit
def kernel(xy_tensor, pe_x, pe_y):
    xy = xy_tensor.reshape(2, 1)
    out = _sc_call(xy, pe_x, pe_y)
    return out.reshape(1, 2 * DIMS)

# --- scband reference (transcript-rebuilt; emitter-appended) ---
"""Pipeline reference for scband-positional-encoder-49271864820077 (READ-ONLY COPY).

The authoritative reference and input builder live on the scoring server;
editing this copy changes nothing except your own understanding.
"""

import jax, jax.numpy as jnp
import numpy as np

DIMS = 512
MAX_X = 1920
MAX_Y = 1080


def _build_pe(mx, dims):
    pos = np.arange(mx, dtype=np.float64)[:, None]
    i = np.arange(0, dims, 2, dtype=np.float64)
    pe = np.zeros((mx, dims), dtype=np.float64)
    pe[:, 0::2] = np.sin(pos / (10000.0 ** (2.0 * i / dims)))
    pe[:, 1::2] = np.cos(pos / (10000.0 ** (2.0 * (i + 1.0) / dims)))
    return jnp.asarray(pe, dtype=jnp.float32)


def setup_inputs(seed: int = 0) -> dict:
    key = jax.random.key(seed)
    k1, = jax.random.split(key, 1)
    xy_tensor = jax.random.randint(k1, (1, 2), 0, 1080, dtype=jnp.int32)
    pe_x = _build_pe(MAX_X, DIMS)
    pe_y = _build_pe(MAX_Y, DIMS)
    return {"xy_tensor": xy_tensor, "pe_x": pe_x, "pe_y": pe_y}


def reference(xy_tensor, pe_x, pe_y):
    x = xy_tensor[0, 0]
    y = xy_tensor[0, 1]
    pe_x_row = jnp.take(pe_x, x, axis=0)
    pe_y_row = jnp.take(pe_y, y, axis=0)
    pe_xy = jnp.concatenate([pe_x_row, pe_y_row], axis=0)
    pe_xy = jnp.expand_dims(pe_xy, 0)
    return pe_xy

if __name__ == "__main__":
    import jax
    _d = setup_inputs()
    print(jax.jit(kernel)(*tuple(_d.values())))

</pallas_src>

<mosaic_0001>
#map = affine_map<(d0) -> (0, 0)>
module attributes {stable_mosaic.version = 14 : i64} {
  func.func @_pe_lookup(%arg0: i32, %arg1: memref<2x1xi32, #tpu.memory_space<hbm>>, %arg2: memref<1920x512xf32, #tpu.memory_space<hbm>>, %arg3: memref<1080x512xf32, #tpu.memory_space<hbm>>, %arg4: memref<2x512xf32, #tpu.memory_space<hbm>>, %arg5: memref<2x1xi32, #tpu.memory_space<smem>>, %arg6: memref<!tpu.dma_semaphore, #tpu.memory_space<semaphore_mem>>, %arg7: memref<!tpu.dma_semaphore, #tpu.memory_space<semaphore_mem>>) attributes {dimension_semantics = [#tpu.dimension_semantics<core_parallel>], iteration_bounds = array<i64: 1>, scalar_prefetch = 0 : i64, scratch_operands = 3 : i64, tpu.core_type = #tpu.core_type<sc_scalar_subcore>, window_params = [{transform_indices = #map}, {transform_indices = #map}, {transform_indices = #map}, {transform_indices = #map}]} {
    "tpu.region"() ({
      %run_scoped3A = tpu.sem_alloc : memref<!tpu.dma_semaphore, #tpu.memory_space<semaphore_mem>>
      tpu.enqueue_dma source(%arg1 : memref<2x1xi32, #tpu.memory_space<hbm>>) target(%arg5 : memref<2x1xi32, #tpu.memory_space<smem>>) target_semaphore(%run_scoped3A : memref<!tpu.dma_semaphore, #tpu.memory_space<semaphore_mem>>)
      tpu.wait_dma2 semaphore(%run_scoped3A : memref<!tpu.dma_semaphore, #tpu.memory_space<semaphore_mem>>) src(%arg1 : memref<2x1xi32, #tpu.memory_space<hbm>>) dst(%arg5 : memref<2x1xi32, #tpu.memory_space<smem>>)
      tpu.yield
    }) : () -> ()
    %get3A = arith.constant 0 : i32
    %get3A_0 = arith.constant 0 : i32
    %get3A_1 = arith.index_cast %get3A : i32 to index
    %get3A_2 = arith.index_cast %get3A_0 : i32 to index
    %get3A_3 = memref.load %arg5[%get3A_1, %get3A_2] : memref<2x1xi32, #tpu.memory_space<smem>>
    %get3A_4 = arith.constant 1 : i32
    %get3A_5 = arith.constant 0 : i32
    %get3A_6 = arith.index_cast %get3A_4 : i32 to index
    %get3A_7 = arith.index_cast %get3A_5 : i32 to index
    %get3A_8 = memref.load %arg5[%get3A_6, %get3A_7] : memref<2x1xi32, #tpu.memory_space<smem>>
    %dma_start3A = arith.constant 0 : i32
    %dma_start3A_9 = arith.constant 0 : i32
    %dma_start3A_10 = tpu.memref_slice %arg4[%dma_start3A, %dma_start3A_9] : memref<2x512xf32, #tpu.memory_space<hbm>> -> memref<1x512xf32, #tpu.memory_space<hbm>>
    %dma_start3A_11 = arith.constant 0 : i32
    %dma_start3A_12 = tpu.memref_slice %arg2[%get3A_3, %dma_start3A_11] : memref<1920x512xf32, #tpu.memory_space<hbm>> -> memref<1x512xf32, #tpu.memory_space<hbm>>
    tpu.enqueue_dma source(%dma_start3A_12 : memref<1x512xf32, #tpu.memory_space<hbm>>) target(%dma_start3A_10 : memref<1x512xf32, #tpu.memory_space<hbm>>) target_semaphore(%arg6 : memref<!tpu.dma_semaphore, #tpu.memory_space<semaphore_mem>>)
    %dma_start3A_13 = arith.constant 1 : i32
    %dma_start3A_14 = arith.constant 0 : i32
    %dma_start3A_15 = tpu.memref_slice %arg4[%dma_start3A_13, %dma_start3A_14] : memref<2x512xf32, #tpu.memory_space<hbm>> -> memref<1x512xf32, #tpu.memory_space<hbm>>
    %dma_start3A_16 = arith.constant 0 : i32
    %dma_start3A_17 = tpu.memref_slice %arg3[%get3A_8, %dma_start3A_16] : memref<1080x512xf32, #tpu.memory_space<hbm>> -> memref<1x512xf32, #tpu.memory_space<hbm>>
    tpu.enqueue_dma source(%dma_start3A_17 : memref<1x512xf32, #tpu.memory_space<hbm>>) target(%dma_start3A_15 : memref<1x512xf32, #tpu.memory_space<hbm>>) target_semaphore(%arg7 : memref<!tpu.dma_semaphore, #tpu.memory_space<semaphore_mem>>)
    %dma_wait3A = arith.constant 0 : i32
    %dma_wait3A_18 = arith.constant 0 : i32
    %dma_wait3A_19 = tpu.memref_slice %arg4[%dma_wait3A, %dma_wait3A_18] : memref<2x512xf32, #tpu.memory_space<hbm>> -> memref<1x512xf32, #tpu.memory_space<hbm>>
    %dma_wait3A_20 = arith.constant 0 : i32
    %dma_wait3A_21 = tpu.memref_slice %arg2[%get3A_3, %dma_wait3A_20] : memref<1920x512xf32, #tpu.memory_space<hbm>> -> memref<1x512xf32, #tpu.memory_space<hbm>>
    tpu.wait_dma2 semaphore(%arg6 : memref<!tpu.dma_semaphore, #tpu.memory_space<semaphore_mem>>) src(%dma_wait3A_21 : memref<1x512xf32, #tpu.memory_space<hbm>>) dst(%dma_wait3A_19 : memref<1x512xf32, #tpu.memory_space<hbm>>)
    %dma_wait3A_22 = arith.constant 1 : i32
    %dma_wait3A_23 = arith.constant 0 : i32
    %dma_wait3A_24 = tpu.memref_slice %arg4[%dma_wait3A_22, %dma_wait3A_23] : memref<2x512xf32, #tpu.memory_space<hbm>> -> memref<1x512xf32, #tpu.memory_space<hbm>>
    %dma_wait3A_25 = arith.constant 0 : i32
    %dma_wait3A_26 = tpu.memref_slice %arg3[%get3A_8, %dma_wait3A_25] : memref<1080x512xf32, #tpu.memory_space<hbm>> -> memref<1x512xf32, #tpu.memory_space<hbm>>
    tpu.wait_dma2 semaphore(%arg7 : memref<!tpu.dma_semaphore, #tpu.memory_space<semaphore_mem>>) src(%dma_wait3A_26 : memref<1x512xf32, #tpu.memory_space<hbm>>) dst(%dma_wait3A_24 : memref<1x512xf32, #tpu.memory_space<hbm>>)
    return
  }
}

</mosaic_0001>

<sc_bundles>
// kernel: kernel.3.cloned.1.call-start
scs
__scs_entry_jumppad:
0x0: {  	(pc) =	sbr.rel $0x88, $3  }
0x1: {  	(tag) =	ssettag $0x0;
	lr =	simm.s32 $0x1  }
0x2: {  	[smem:$0x3F9E] =	sst lr;
	_ =	strace $0xD0000000  }
0x3: {  	_ = 	snop  }
0x4: {  	_ = 	snop  }
0x5: {  	_ = 	snop  }
0x6: {  	_ = 	snop  }
0x7: {  	_ = 	snop  }
__scs_overlays_trampoline_lowered:
0x8: {  	[smem:$0x3FAD] =	sst s0  }
0x9: {  	[smem:$0x3FAE] =	sst s1  }
0xa: {  	[smem:$0x3FAF] =	sst s2  }
0xb: {  	[smem:$0x3FB0] =	sst s3  }
0xc: {  	[smem:$0x3FB1] =	sst s4  }
0xd: {  	[smem:$0x3FB2] =	sst s5  }
0xe: {  	[smem:$0x3FB3] =	sst s6  }
0xf: {  	[smem:$0x3FB4] =	sst s7  }
0x10: {  	[smem:$0x3FB5] =	sst s8  }
0x11: {  	[smem:$0x3FB6] =	sst s9;
	s0 =	simm.s32 @!p0 $0x0  }
0x12: {  	s1 =	sld [smem:$0x3F9C];
	s0 =	simm.s32 @p0 $0x1  }
0x13: {  	[smem:$0x3FB7] =	sst s0;
	s0 =	simm.s32 @!p1 $0x0  }
0x14: {  	s2 =	sld [smem:$0x3F9B];
	s0 =	simm.s32 @p1 $0x1  }
0x15: {  	[smem:$0x3FB8] =	sst s0;
	s0 =	simm.s32 @!p2 $0x0  }
0x16: {  	s3 =	sld [smem:$0x3FDB];
	s0 =	simm.s32 @p2 $0x1  }
0x17: {  	s4 =	simm.s32 $0x1BF5;
	[smem:$0x3FBA] =	sst s0  }
0x18: {  	s0 =	sld [smem:$0x3F9D];
	_ =	swait.ge [sflag:s4], $0x0  }
0x19: {  	s7 =	sld [smem:$0x3F9E]  }
0x1a: {  	s8 =	sadd.s32 $0xFFFFE003, lr  }
0x1b: {  	s9 =	sadd.s32 $0xFFFFFEF7, lr;
	s5 =	simm.s32 $0xFFFFFFFF;
	p2 =	slt.u32 s8, $0xFFFFF086  }
0x1c: {  	p1 =	slt.u32 s9, $0xF7A;
	s5 =	simm.s32 @!p2 $0x0  }
0x1d: {  	s5 =	simm.s32 @p1 $0x1;
	p0 =	seq.s32 s7, s2  }
0x1e: {  	s7 =	smul.u32 @!p0 $0xF7A, s2;
	p2 =	seq.s32 @!p0 s5, $0x0  }
0x1f: {  	s9 =	smul.u32 $0xF7A, s1;
	s8 =	simm.s32 @!p0 $0x1BF5;
	p2 =	por !p2, p0  }
0x20: {  	[sflag:s8] =	ssyncset.s32 @!p0 $0xFFFFF086;
	s6 =	sadd.s32 @!p0 s3, s7;
	s7 =	simm.s32 @!p0 $0x108  }
0x21: {  	s3 =	sadd.s32 s3, s9;
	s6 =	sadd.s32 @!p0 $0x88, s6;
	s7 =	simm.s32 @p2 $0x1082  }
0x22: {  	[simem:s7], [sflag:s8] =	dma.local @!p0 [hbm:s6], $0xF7A  }
0x23: {  	s9 =	sor.u32 $0xD0000000, s2;
	s6 =	simm.s32 $0x108;
	_ =	swait.ge @!p0 [sflag:s8], $0x0  }
0x24: {  	s3 =	sadd.s32 $0x88, s3;
	s6 =	simm.s32 @!p1 $0x1082;
	[sflag:s4] =	ssyncset.s32 $0xFFFFF086  }
0x25: {  	[simem:s6], [sflag:s4] =	dma.local [hbm:s3], $0xF7A  }
0x26: {  	[smem:$0x3F9E] =	sst s1;
	(tag) =	ssettag s2;
	_ =	strace s9  }
0x27: {  	s1 =	sld [smem:$0x3FAE]  }
0x28: {  	s2 =	sld [smem:$0x3FAF]  }
0x29: {  	s4 =	sld [smem:$0x3FB1]  }
0x2a: {  	p0 =	seq.s32 s5, $0x0;
	s5 =	sld [smem:$0x3FB2]  }
0x2b: {  	s6 =	sld [smem:$0x3FB3]  }
0x2c: {  	s7 =	sld [smem:$0x3FB4]  }
0x2d: {  	s3 =	simm.s32 $0x108;
	s8 =	sld [smem:$0x3FB5]  }
0x2e: {  	s3 =	simm.s32 @!p0 $0x1082;
	s9 =	sld [smem:$0x3FB6]  }
0x2f: {  	lr =	sadd.s32 s0, s3;
	s0 =	sld [smem:$0x3FAD]  }
0x30: {  	s3 =	sld [smem:$0x3FB0]  }
0x31: {  	[smem:$0x3FB9] =	sst s10  }
0x32: {  	s10 =	sld [smem:$0x3FB7];
	_ =	sdelay $0x3  }
0x33: {  	p0 =	seq.s32 s10, $0x1;
	s10 =	sld [smem:$0x3FB9];
	_ =	sdelay $0x3  }
0x34: {  	[smem:$0x3FB9] =	sst s10  }
0x35: {  	s10 =	sld [smem:$0x3FB8];
	_ =	sdelay $0x3  }
0x36: {  	p1 =	seq.s32 s10, $0x1;
	s10 =	sld [smem:$0x3FB9];
	_ =	sdelay $0x3  }
0x37: {  	[smem:$0x3FB9] =	sst s10  }
0x38: {  	s10 =	sld [smem:$0x3FBA]  }
0x39: {  	_ = 	snop;
	(pc) =	sbr.ind lr, $3  }
0x3a: {  	_ = 	snop  }
0x3b: {  	_ = 	snop  }
0x3c: {  	p2 =	seq.s32 s10, $0x1;
	s10 =	sld [smem:$0x3FB9]  }
0x3d: {  	_ =	shalt  }
0x3e: {  	_ =	shalt  }
0x3f: {  	_ =	shalt  }
0x40: {  	_ =	shalt  }
0x41: {  	_ =	shalt  }
0x42: {  	_ =	shalt  }
0x43: {  	_ =	shalt  }
0x44: {  	_ =	shalt  }
0x45: {  	_ =	shalt  }
0x46: {  	_ =	shalt  }
0x47: {  	_ =	shalt  }
0x48: {  	_ =	shalt  }
0x49: {  	_ =	shalt  }
0x4a: {  	_ =	shalt  }
0x4b: {  	_ =	shalt  }
0x4c: {  	_ =	shalt  }
0x4d: {  	_ =	shalt  }
0x4e: {  	_ =	shalt  }
0x4f: {  	_ =	shalt  }
0x50: {  	_ =	shalt  }
0x51: {  	_ =	shalt  }
0x52: {  	_ =	shalt  }
0x53: {  	_ =	shalt  }
0x54: {  	_ =	shalt  }
0x55: {  	_ =	shalt  }
0x56: {  	_ =	shalt  }
0x57: {  	_ =	shalt  }
0x58: {  	_ =	shalt  }
0x59: {  	_ =	shalt  }
0x5a: {  	_ =	shalt  }
0x5b: {  	_ =	shalt  }
0x5c: {  	_ =	shalt  }
0x5d: {  	_ =	shalt  }
0x5e: {  	_ =	shalt  }
0x5f: {  	_ =	shalt  }
0x60: {  	_ =	shalt  }
0x61: {  	_ =	shalt  }
0x62: {  	_ =	shalt  }
0x63: {  	_ =	shalt  }
0x64: {  	_ =	shalt  }
0x65: {  	_ =	shalt  }
0x66: {  	_ =	shalt  }
0x67: {  	_ =	shalt  }
0x68: {  	_ =	shalt  }
0x69: {  	_ =	shalt  }
0x6a: {  	_ =	shalt  }
0x6b: {  	_ =	shalt  }
0x6c: {  	_ =	shalt  }
0x6d: {  	_ =	shalt  }
0x6e: {  	_ =	shalt  }
0x6f: {  	_ =	shalt  }
0x70: {  	_ =	shalt  }
0x71: {  	_ =	shalt  }
0x72: {  	_ =	shalt  }
0x73: {  	_ =	shalt  }
0x74: {  	_ =	shalt  }
0x75: {  	_ =	shalt  }
0x76: {  	_ =	shalt  }
0x77: {  	_ =	shalt  }
0x78: {  	_ =	shalt  }
0x79: {  	_ =	shalt  }
0x7a: {  	_ =	shalt  }
0x7b: {  	_ =	shalt  }
0x7c: {  	_ =	shalt  }
0x7d: {  	_ =	shalt  }
0x7e: {  	_ =	shalt  }
0x7f: {  	_ =	shalt  }
0x80: {  	_ =	shalt  }
0x81: {  	_ =	shalt  }
0x82: {  	_ =	shalt  }
0x83: {  	_ =	shalt  }
0x84: {  	_ =	shalt  }
0x85: {  	_ =	shalt  }
0x86: {  	_ =	shalt  }
0x87: {  	_ =	shalt  }
.Lfunc_end0:
.L_simem_size_0:
called_computation_lowered:
.L_overlay_start_0:
0x88: {  	s0 =	sld [smem:$0x3FD9]  }
0x89: {  	s1 =	sld [smem:$0x3FFE];
	_ =	sdelay $0x3  }
0x8a: {  	s0 =	sadd.s32 s1, s0  }
0x8b: {  	s3 =	simm.s32 $0x0;
	[smem:$0x3FC5] =	sst s0  }
0x8c: {  	[smem:$0xF] =	sst s3  }
0x8d: {  	s0 =	sld [smem:$0x3FC8]  }
0x8e: {  	s14 =	sld [smem:$0x3FC7]  }
0x8f: {  	s2 =	sld [smem:$0x3FD0];
	(tm) =	ssettm $0x1  }
0x90: {  	s15 =	sld [smem:$0x3FFB];
	_ =	sdelay $0x3  }
0x91: {  	_ =	strace s15  }
0x92: {  	s3 =	sld [smem:$0x3FFC];
	_ =	sdelay $0x3  }
0x93: {  	_ =	strace s3  }
0x94: {  	s3 =	sld [smem:$0x3FFD];
	_ =	sdelay $0x3  }
0x95: {  	_ =	strace s3  }
0x96: {  	s16 =	simm.s32 $0x1B8B;
	_ =	strace $0x8FFFFFFF  }
0x97: {  	_ =	swait.ge [sflag:s16], $0x1  }
0x98: {  	[sflag:s16] =	ssyncset.done $0x0  }
0x99: {  	s4 =	simm.s32 $0x1B8E;
	[sflag:s16] =	ssyncadd.s32 $0xFFFFFFFF  }
0x9a: {  	s18 =	simm.s32 $0xB;
	[smem:$0x3FD2] =	sst s4  }
0x9b: {  	s5 =	simm.s32 $0x10;
	s17 =	sld [smem:$0x3FFE];
	_ =	strace $0x80000046  }
0x9c: {  	[smem:s5], [sflag:s18] =	dma.local [hbm:s2], $0x20  }
0x9d: {  	_ =	swait.ge [sflag:s18], $0x20  }
0x9e: {  	[sflag:s18] =	ssyncset.done $0x0  }
0x9f: {  	[sflag:s18] =	ssyncadd.s32 $0xFFFFFFE0  }
0xa0: {  	s19 =	sld [smem:$0x10];
	_ =	sdelay $0x3  }
0xa1: {  	s21 =	sld [smem:$0x90];
	s20 =	sshll.u32 s19, $0x9;
	s2 =	sshll.u32 s19, $0x7  }
0xa2: {  	s23 =	simm.s32 $0x1;
	s4 =	sand.u32 $0xFFFFF000, s20;
	s2 =	sand.u32 $0x380, s2  }
0xa3: {  	s6 =	simm.s32 $0x20;
	s7 =	simm.s32 $0x80;
	s2 =	sor.u32 s2, s4  }
0xa4: {  	s8 =	simm.s32 $0x9;
	s22 =	sadd.s32 $0x400, s17;
	s2 =	sshrl.u32 s2, $0x3  }
0xa5: {  	s24 =	sshll.u32 s21, $0x9;
	s4 =	sshll.u32 s21, $0x7;
	s0 =	sadd.s32 s0, s2  }
0xa6: {  	[hbm:s22@s6], [sflag:s8] =	dma.strided [hbm:s0@s7], $0x40, s23, $0x10   }
0xa7: {  	s4 =	sand.u32 $0x380, s4;
	s0 =	sand.u32 $0xFFFFF000, s24  }
0xa8: {  	s0 =	sor.u32 s4, s0  }
0xa9: {  	s0 =	sshrl.u32 s0, $0x3  }
0xaa: {  	s26 =	simm.s32 $0xA;
	s25 =	sadd.s32 $0x410, s17;
	s0 =	sadd.s32 s14, s0  }
0xab: {  	[hbm:s25@s6], [sflag:s26] =	dma.strided [hbm:s0@s7], $0x40, s23, $0x10   }
0xac: {  	_ =	swait.ge [sflag:s8], $0x40  }
0xad: {  	[sflag:s8] =	ssyncset.done $0x0  }
0xae: {  	[sflag:s8] =	ssyncadd.s32 $0xFFFFFFC0;
	_ =	sdelay $0x2  }
0xaf: {  	_ =	swait.ge [sflag:s26], $0x40  }
0xb0: {  	[sflag:s26] =	ssyncset.done $0x0  }
0xb1: {  	[sflag:s26] =	ssyncadd.s32 $0xFFFFFFC0  }
0xb2: {  	_ =	strace $0x90000046  }
0xb3: {  	_ =	sfence  }
0xb4: {  	s28 =	sld [smem:$0x0];
	_ =	sdelay $0x1  }
0xb5: {  	s29 =	srdreg.scid  }
0xb6: {  	s30 =	sshll.u32 s29, $0xD;
	s31 =	sshrl.u32 s29, $0x2  }
0xb7: {  	s1 =	sand.u32 $0x1, s29;
	s2 =	sand.u32 $0x4000, s30;
	s0 =	sadd.s32 s31, s28  }
0xb8: {  	s1 =	sor.u32 s2, s1;
	s0 =	sshll.u32 s0, $0x11  }
0xb9: {  	s0 =	sor.u32 s0, s1  }
0xba: {  	s0 =	sadd.s32 $0x8F2B, s0;
	(pc) =	sbr.abs _section_cstart, $3  }
0xbb: {  	[sflag:s0] =	ssyncadd.remote.s32 $0x1  }
0xbc: {  	_ =	strace $0x9FFFFFFF  }
0xbd: {  	(tm) =	ssettm $0x7FFFFFFF  }

</sc_bundles>
